<compile_context>
chip_gen: v7x
topology: tpu7x:2x2x1
jax: 0.10.2.dev20260603
libtpu: 0.0.44.dev20260713+nightly
codegen_flags: <defaults>
</compile_context>

<pallas_src>
import functools

import jax
import jax.numpy as jnp
from jax import lax
from jax.experimental import pallas as pl
from jax.experimental.pallas import tpu as pltpu

_B, _H, _W = 32, 512, 512
_WS = 8
_HC, _WC = _H // _WS, _W // _WS
_N = _B * _HC * _WC
_KK = _WS * _WS
_C = 4096
_NB = _N // _C


@functools.lru_cache(maxsize=1)
def _noise_consts():
    k1 = jax.random.fold_in(jax.random.key(0), 1)
    k2 = jax.random.fold_in(jax.random.key(0), 2)
    g = jax.random.gumbel(k1, (_B, 1, _HC, _WC, _KK), jnp.float32)
    gT = g.reshape(_N, _KK).T
    u = jax.random.uniform(k2, (_B, 1, _HC, _WC), jnp.float32)
    u3 = u.reshape(_NB, 1, _C)
    return jax.block_until_ready(gT), jax.block_until_ready(u3)


def _body(grid_ref, gum_ref, u_ref, col_ref, row_ref, lp_ref, acc_ref):
    i = pl.program_id(0)
    gb = grid_ref[...]
    nb = gum_ref[...]
    z = gb + nb
    kio = lax.broadcasted_iota(jnp.int32, (_KK, _C), 0)
    zmax = jnp.max(z, axis=0, keepdims=True)
    choice = jnp.min(jnp.where(z == zmax, kio, _KK), axis=0, keepdims=True)
    sel = jnp.max(jnp.where(kio == choice, gb, -jnp.inf), axis=0, keepdims=True)
    m = jnp.max(gb, axis=0, keepdims=True)
    s = jnp.sum(jnp.exp(gb - m), axis=0, keepdims=True)
    lse = m + jnp.log(s)
    u = u_ref[0]
    p = jax.nn.sigmoid(sel)
    accf = (u < p).astype(jnp.float32)
    lp = (sel - lse) + accf * sel - jax.nn.softplus(sel)
    n = i * _C + lax.broadcasted_iota(jnp.int32, (1, _C), 1)
    wc = n % _WC
    hc = (n // _WC) % _HC
    row = (hc * _WS + choice // _WS).astype(jnp.float32)
    col = (wc * _WS + choice % _WS).astype(jnp.float32)
    col_ref[0] = col
    row_ref[0] = row
    lp_ref[0] = lp
    acc_ref[0] = accf


_out13 = jax.ShapeDtypeStruct((_NB, 1, _C), jnp.float32)


_sampler = pl.pallas_call(
    _body,
    grid=(_NB,),
    in_specs=[
        pl.BlockSpec((_KK, _C), lambda i: (0, i)),
        pl.BlockSpec((_KK, _C), lambda i: (0, i)),
        pl.BlockSpec((1, 1, _C), lambda i: (i, 0, 0)),
    ],
    out_specs=[pl.BlockSpec((1, 1, _C), lambda i: (i, 0, 0))] * 4,
    out_shape=[_out13] * 4,
    compiler_params=pltpu.CompilerParams(dimension_semantics=("arbitrary",)),
)


def kernel(x):
    gT, u3 = _noise_consts()
    gridT = (
        x.reshape(_B, _HC, _WS, _WC, _WS)
        .transpose(0, 1, 3, 2, 4)
        .reshape(_N, _KK)
        .T
    )
    col, row, lp, accf = _sampler(gridT, gT, u3)
    xy = jnp.stack(
        [col.reshape(_B, _HC, _WC), row.reshape(_B, _HC, _WC)], axis=-1
    )
    log_probs = lp.reshape(_B, _HC, _WC)
    mask = accf.reshape(_B, _HC, _WC) > 0
    return (xy, log_probs, mask)

# --- scband reference (transcript-rebuilt; emitter-appended) ---
"""Pipeline reference for scband-keypoint-sampler-38001870635222 (READ-ONLY COPY).

The authoritative reference and input builder live on the scoring server;
editing this copy changes nothing except your own understanding.
"""

import jax, jax.numpy as jnp
import numpy as np

WS = 8

def gridify(x, ws):
    B, C, H, W = x.shape
    Hc, Wc = H // ws, W // ws
    x = x.reshape(B, C, Hc, ws, Wc, ws).transpose(0, 1, 2, 4, 3, 5)
    return x.reshape(B, C, Hc, Wc, ws * ws)

def setup_inputs(seed: int = 0):
    key = jax.random.key(seed)
    x = jax.random.normal(key, (32, 1, 512, 512), dtype=jnp.float32)
    return {"x": x}

def reference(x):
    ws = WS
    B, C, H, W = x.shape
    # grid of keypoint logits per window cell: (B, 1, Hc, Wc, ws*ws)
    grid = gridify(x, ws)
    # pixel coordinate cells, matching torch.meshgrid (ij) -> dstack -> permute(2,0,1)
    ii, jj = jnp.meshgrid(jnp.arange(H, dtype=jnp.float32), jnp.arange(W, dtype=jnp.float32), indexing='ij')
    coords = jnp.stack([ii, jj], axis=0)[None]  # (1, 2, H, W)
    coords = jnp.broadcast_to(coords, (B, 2, H, W))
    idx_cells = gridify(coords, ws)  # (B, 2, Hc, Wc, ws*ws)
    # sample: Categorical over last dim, then Bernoulli acceptance on selected logit
    k1 = jax.random.fold_in(jax.random.key(0), 1)
    k2 = jax.random.fold_in(jax.random.key(0), 2)
    choices = jax.random.categorical(k1, grid, axis=-1)  # (B, 1, Hc, Wc)
    selected = jnp.take_along_axis(grid, choices[..., None], axis=-1).squeeze(-1)
    accepted = jax.random.bernoulli(k2, jax.nn.sigmoid(selected)).astype(jnp.float32)
    cat_logp = jnp.take_along_axis(jax.nn.log_softmax(grid, axis=-1), choices[..., None], axis=-1).squeeze(-1)
    bern_logp = accepted * selected - jax.nn.softplus(selected)
    log_probs = (cat_logp + bern_logp).squeeze(1)  # (B, Hc, Wc)
    mask = (accepted > 0).squeeze(1)  # (B, Hc, Wc)
    # gather sampled pixel coordinates
    idx2 = jnp.broadcast_to(choices, (B, 2, choices.shape[2], choices.shape[3]))
    keypoints = jnp.take_along_axis(idx_cells, idx2[..., None], axis=-1).squeeze(-1).transpose(0, 2, 3, 1)
    xy = keypoints[..., ::-1]  # flip (row, col) -> (x, y) as in torch .flip(-1)
    # original returns a ragged per-batch list {xy[mask], logprobs[mask]};
    # we return the dense fixed-shape equivalents plus the mask.
    return (xy, log_probs, mask)

if __name__ == "__main__":
    import jax
    _d = setup_inputs()
    print(jax.jit(kernel)(*tuple(_d.values())))

</pallas_src>

<mosaic_0001>
module attributes {stable_mosaic.version = 14 : i64} {
  func.func @_body(%arg0: i32, %arg1: memref<64x4096xf32, #tpu.memory_space<vmem>>, %arg2: memref<64x4096xf32, #tpu.memory_space<vmem>>, %arg3: memref<1x1x4096xf32, #tpu.memory_space<vmem>>, %arg4: memref<1x1x4096xf32, #tpu.memory_space<vmem>>, %arg5: memref<1x1x4096xf32, #tpu.memory_space<vmem>>, %arg6: memref<1x1x4096xf32, #tpu.memory_space<vmem>>, %arg7: memref<1x1x4096xf32, #tpu.memory_space<vmem>>) attributes {dimension_semantics = [#tpu.dimension_semantics<arbitrary>], iteration_bounds = array<i64: 32>, scalar_prefetch = 0 : i64, scratch_operands = 0 : i64, tpu.core_type = #tpu.core_type<tc>, window_params = [{transform_indices = @transform_0, window_bounds = array<i64: 64, 4096>}, {transform_indices = @transform_1, window_bounds = array<i64: 64, 4096>}, {transform_indices = @transform_2, window_bounds = array<i64: 1, 1, 4096>}, {transform_indices = @transform_3, window_bounds = array<i64: 1, 1, 4096>}, {transform_indices = @transform_4, window_bounds = array<i64: 1, 1, 4096>}, {transform_indices = @transform_5, window_bounds = array<i64: 1, 1, 4096>}, {transform_indices = @transform_6, window_bounds = array<i64: 1, 1, 4096>}]} {
    %get3A = arith.constant 0 : index
    %get3A_0 = arith.constant 0 : index
    %get3A_1 = vector.load %arg1[%get3A, %get3A_0] : memref<64x4096xf32, #tpu.memory_space<vmem>>, vector<64x4096xf32>
    %get3A_2 = arith.constant 0 : index
    %get3A_3 = arith.constant 0 : index
    %get3A_4 = vector.load %arg2[%get3A_2, %get3A_3] : memref<64x4096xf32, #tpu.memory_space<vmem>>, vector<64x4096xf32>
    %add3A = arith.addf %get3A_1, %get3A_4 : vector<64x4096xf32>
    %iota3A = tpu.iota {dimensions = array<i32: 0>} : vector<64x4096xi32>
    %reduce_max3A = arith.constant dense<0xFF800000> : vector<4096xf32>
    %reduce_max3A_5 = vector.multi_reduction <maximumf>, %add3A, %reduce_max3A [0] : vector<64x4096xf32> to vector<4096xf32>
    %broadcast_in_dim3A = vector.shape_cast %reduce_max3A_5 : vector<4096xf32> to vector<1x4096xf32>
    %eq3A = vector.broadcast %broadcast_in_dim3A : vector<1x4096xf32> to vector<64x4096xf32>
    %eq3A_6 = arith.cmpf oeq, %add3A, %eq3A : vector<64x4096xf32>
    %jit3A = arith.constant 64 : i32
    %broadcast_in_dim3A_7 = vector.broadcast %jit3A : i32 to vector<64x4096xi32>
    %select_n3A = arith.select %eq3A_6, %iota3A, %broadcast_in_dim3A_7 : vector<64x4096xi1>, vector<64x4096xi32>
    %reduce_min3A = arith.constant dense<2147483647> : vector<4096xi32>
    %reduce_min3A_8 = vector.multi_reduction <minsi>, %select_n3A, %reduce_min3A [0] : vector<64x4096xi32> to vector<4096xi32>
    %broadcast_in_dim3A_9 = vector.shape_cast %reduce_min3A_8 : vector<4096xi32> to vector<1x4096xi32>
    %eq3A_10 = vector.broadcast %broadcast_in_dim3A_9 : vector<1x4096xi32> to vector<64x4096xi32>
    %eq3A_11 = arith.cmpi eq, %iota3A, %eq3A_10 : vector<64x4096xi32>
    %jit3A_12 = arith.constant 0xFF800000 : f32
    %broadcast_in_dim3A_13 = vector.broadcast %jit3A_12 : f32 to vector<64x4096xf32>
    %select_n3A_14 = arith.select %eq3A_11, %get3A_1, %broadcast_in_dim3A_13 : vector<64x4096xi1>, vector<64x4096xf32>
    %reduce_max3A_15 = arith.constant dense<0xFF800000> : vector<4096xf32>
    %reduce_max3A_16 = vector.multi_reduction <maximumf>, %select_n3A_14, %reduce_max3A_15 [0] : vector<64x4096xf32> to vector<4096xf32>
    %broadcast_in_dim3A_17 = vector.shape_cast %reduce_max3A_16 : vector<4096xf32> to vector<1x4096xf32>
    %reduce_max3A_18 = arith.constant dense<0xFF800000> : vector<4096xf32>
    %reduce_max3A_19 = vector.multi_reduction <maximumf>, %get3A_1, %reduce_max3A_18 [0] : vector<64x4096xf32> to vector<4096xf32>
    %broadcast_in_dim3A_20 = vector.shape_cast %reduce_max3A_19 : vector<4096xf32> to vector<1x4096xf32>
    %sub3A = vector.broadcast %broadcast_in_dim3A_20 : vector<1x4096xf32> to vector<64x4096xf32>
    %sub3A_21 = arith.subf %get3A_1, %sub3A : vector<64x4096xf32>
    %exp3A = math.exp %sub3A_21 : vector<64x4096xf32>
    %reduce_sum3A = arith.constant dense<0.000000e+00> : vector<4096xf32>
    %reduce_sum3A_22 = vector.multi_reduction <add>, %exp3A, %reduce_sum3A [0] : vector<64x4096xf32> to vector<4096xf32>
    %broadcast_in_dim3A_23 = vector.shape_cast %reduce_sum3A_22 : vector<4096xf32> to vector<1x4096xf32>
    %log3A = math.log %broadcast_in_dim3A_23 : vector<1x4096xf32>
    %add3A_24 = arith.addf %broadcast_in_dim3A_20, %log3A : vector<1x4096xf32>
    %get3A_25 = arith.constant 0 : index
    %get3A_26 = arith.constant 0 : index
    %get3A_27 = arith.constant 0 : index
    %get3A_28 = vector.load %arg3[%get3A_25, %get3A_26, %get3A_27] : memref<1x1x4096xf32, #tpu.memory_space<vmem>>, vector<1x1x4096xf32>
    %get3A_29 = vector.shape_cast %get3A_28 : vector<1x1x4096xf32> to vector<1x4096xf32>
    %logistic3A = arith.negf %broadcast_in_dim3A_17 : vector<1x4096xf32>
    %logistic3A_30 = math.exp %logistic3A : vector<1x4096xf32>
    %logistic3A_31 = arith.constant 1.000000e+00 : f32
    %logistic3A_32 = vector.broadcast %logistic3A_31 : f32 to vector<1x4096xf32>
    %logistic3A_33 = arith.addf %logistic3A_32, %logistic3A_30 : vector<1x4096xf32>
    %logistic3A_34 = arith.divf %logistic3A_32, %logistic3A_33 : vector<1x4096xf32>
    %lt3A = arith.cmpf olt, %get3A_29, %logistic3A_34 : vector<1x4096xf32>
    %convert_element_type3A = arith.extui %lt3A : vector<1x4096xi1> to vector<1x4096xi32>
    %convert_element_type3A_35 = arith.sitofp %convert_element_type3A : vector<1x4096xi32> to vector<1x4096xf32>
    %sub3A_36 = arith.subf %broadcast_in_dim3A_17, %add3A_24 : vector<1x4096xf32>
    %mul3A = arith.mulf %convert_element_type3A_35, %broadcast_in_dim3A_17 : vector<1x4096xf32>
    %add3A_37 = arith.addf %sub3A_36, %mul3A : vector<1x4096xf32>
    %custom_jvp_call3A = arith.constant 0.000000e+00 : f32
    %max3A = vector.broadcast %custom_jvp_call3A : f32 to vector<1x4096xf32>
    %max3A_38 = arith.maximumf %broadcast_in_dim3A_17, %max3A : vector<1x4096xf32>
    %sub3A_39 = vector.broadcast %custom_jvp_call3A : f32 to vector<1x4096xf32>
    %sub3A_40 = arith.subf %broadcast_in_dim3A_17, %sub3A_39 : vector<1x4096xf32>
    %ne3A = arith.cmpf one, %sub3A_40, %sub3A_40 : vector<1x4096xf32>
    %add3A_41 = vector.broadcast %custom_jvp_call3A : f32 to vector<1x4096xf32>
    %add3A_42 = arith.addf %broadcast_in_dim3A_17, %add3A_41 : vector<1x4096xf32>
    %abs3A = math.absf %sub3A_40 : vector<1x4096xf32>
    %neg3A = arith.constant 0.000000e+00 : f32
    %neg3A_43 = vector.broadcast %neg3A : f32 to vector<1x4096xf32>
    %neg3A_44 = arith.subf %neg3A_43, %abs3A : vector<1x4096xf32>
    %exp3A_45 = math.exp %neg3A_44 : vector<1x4096xf32>
    %log1p3A = math.log1p %exp3A_45 : vector<1x4096xf32>
    %add3A_46 = arith.addf %max3A_38, %log1p3A : vector<1x4096xf32>
    %select_n3A_47 = arith.select %ne3A, %add3A_42, %add3A_46 : vector<1x4096xi1>, vector<1x4096xf32>
    %sub3A_48 = arith.subf %add3A_37, %select_n3A_47 : vector<1x4096xf32>
    %mul3A_49 = arith.constant 4096 : i32
    %mul3A_50 = arith.muli %arg0, %mul3A_49 : i32
    %iota3A_51 = tpu.iota {dimensions = array<i32: 1>} : vector<1x4096xi32>
    %add3A_52 = vector.broadcast %mul3A_50 : i32 to vector<1x4096xi32>
    %add3A_53 = arith.addi %add3A_52, %iota3A_51 : vector<1x4096xi32>
    %jit3A_54 = arith.constant 64 : i32
    %eq3A_55 = arith.constant 0 : i32
    %eq3A_56 = arith.cmpi eq, %jit3A_54, %eq3A_55 : i32
    %jit3A_57 = arith.constant 1 : i32
    %select_n3A_58 = arith.select %eq3A_56, %jit3A_57, %jit3A_54 : i32
    %rem3A = vector.broadcast %select_n3A_58 : i32 to vector<1x4096xi32>
    %rem3A_59 = arith.remsi %add3A_53, %rem3A : vector<1x4096xi32>
    %ne3A_60 = arith.constant 0 : i32
    %ne3A_61 = vector.broadcast %ne3A_60 : i32 to vector<1x4096xi32>
    %ne3A_62 = arith.cmpi ne, %rem3A_59, %ne3A_61 : vector<1x4096xi32>
    %lt3A_63 = arith.constant 0 : i32
    %lt3A_64 = vector.broadcast %lt3A_63 : i32 to vector<1x4096xi32>
    %lt3A_65 = arith.cmpi slt, %rem3A_59, %lt3A_64 : vector<1x4096xi32>
    %lt3A_66 = arith.constant 0 : i32
    %lt3A_67 = arith.cmpi slt, %select_n3A_58, %lt3A_66 : i32
    %ne3A_68 = vector.broadcast %lt3A_67 : i1 to vector<1x4096xi1>
    %ne3A_69 = vector.broadcast %ne3A_68 : vector<1x4096xi1> to vector<1x4096xi1>
    %ne3A_70 = arith.xori %lt3A_65, %ne3A_69 : vector<1x4096xi1>
    %and3A = arith.andi %ne3A_70, %ne3A_62 : vector<1x4096xi1>
    %add3A_71 = vector.broadcast %select_n3A_58 : i32 to vector<1x4096xi32>
    %add3A_72 = arith.addi %rem3A_59, %add3A_71 : vector<1x4096xi32>
    %select_n3A_73 = arith.select %and3A, %add3A_72, %rem3A_59 : vector<1x4096xi1>, vector<1x4096xi32>
    %jit3A_74 = arith.constant 64 : i32
    %div3A = vector.broadcast %jit3A_74 : i32 to vector<1x4096xi32>
    %div3A_75 = arith.divsi %add3A_53, %div3A : vector<1x4096xi32>
    %sign3A = arith.constant 0 : i32
    %sign3A_76 = vector.broadcast %sign3A : i32 to vector<1x4096xi32>
    %sign3A_77 = arith.cmpi sgt, %add3A_53, %sign3A_76 : vector<1x4096xi32>
    %sign3A_78 = arith.extui %sign3A_77 : vector<1x4096xi1> to vector<1x4096xi32>
    %sign3A_79 = arith.constant 0 : i32
    %sign3A_80 = vector.broadcast %sign3A_79 : i32 to vector<1x4096xi32>
    %sign3A_81 = arith.cmpi slt, %add3A_53, %sign3A_80 : vector<1x4096xi32>
    %sign3A_82 = arith.extui %sign3A_81 : vector<1x4096xi1> to vector<1x4096xi32>
    %sign3A_83 = arith.subi %sign3A_78, %sign3A_82 : vector<1x4096xi32>
    %sign3A_84 = arith.constant 0 : i32
    %sign3A_85 = arith.cmpi sgt, %jit3A_74, %sign3A_84 : i32
    %sign3A_86 = arith.extui %sign3A_85 : i1 to i32
    %sign3A_87 = arith.constant 0 : i32
    %sign3A_88 = arith.cmpi slt, %jit3A_74, %sign3A_87 : i32
    %sign3A_89 = arith.extui %sign3A_88 : i1 to i32
    %sign3A_90 = arith.subi %sign3A_86, %sign3A_89 : i32
    %ne3A_91 = vector.broadcast %sign3A_90 : i32 to vector<1x4096xi32>
    %ne3A_92 = arith.cmpi ne, %sign3A_83, %ne3A_91 : vector<1x4096xi32>
    %rem3A_93 = vector.broadcast %jit3A_74 : i32 to vector<1x4096xi32>
    %rem3A_94 = arith.remsi %add3A_53, %rem3A_93 : vector<1x4096xi32>
    %ne3A_95 = arith.constant 0 : i32
    %ne3A_96 = vector.broadcast %ne3A_95 : i32 to vector<1x4096xi32>
    %ne3A_97 = arith.cmpi ne, %rem3A_94, %ne3A_96 : vector<1x4096xi32>
    %and3A_98 = arith.andi %ne3A_92, %ne3A_97 : vector<1x4096xi1>
    %sub3A_99 = arith.constant 1 : i32
    %sub3A_100 = vector.broadcast %sub3A_99 : i32 to vector<1x4096xi32>
    %sub3A_101 = arith.subi %div3A_75, %sub3A_100 : vector<1x4096xi32>
    %select_n3A_102 = arith.select %and3A_98, %sub3A_101, %div3A_75 : vector<1x4096xi1>, vector<1x4096xi32>
    %jit3A_103 = arith.constant 64 : i32
    %eq3A_104 = arith.constant 0 : i32
    %eq3A_105 = arith.cmpi eq, %jit3A_103, %eq3A_104 : i32
    %jit3A_106 = arith.constant 1 : i32
    %select_n3A_107 = arith.select %eq3A_105, %jit3A_106, %jit3A_103 : i32
    %rem3A_108 = vector.broadcast %select_n3A_107 : i32 to vector<1x4096xi32>
    %rem3A_109 = arith.remsi %select_n3A_102, %rem3A_108 : vector<1x4096xi32>
    %ne3A_110 = arith.constant 0 : i32
    %ne3A_111 = vector.broadcast %ne3A_110 : i32 to vector<1x4096xi32>
    %ne3A_112 = arith.cmpi ne, %rem3A_109, %ne3A_111 : vector<1x4096xi32>
    %lt3A_113 = arith.constant 0 : i32
    %lt3A_114 = vector.broadcast %lt3A_113 : i32 to vector<1x4096xi32>
    %lt3A_115 = arith.cmpi slt, %rem3A_109, %lt3A_114 : vector<1x4096xi32>
    %lt3A_116 = arith.constant 0 : i32
    %lt3A_117 = arith.cmpi slt, %select_n3A_107, %lt3A_116 : i32
    %ne3A_118 = vector.broadcast %lt3A_117 : i1 to vector<1x4096xi1>
    %ne3A_119 = vector.broadcast %ne3A_118 : vector<1x4096xi1> to vector<1x4096xi1>
    %ne3A_120 = arith.xori %lt3A_115, %ne3A_119 : vector<1x4096xi1>
    %and3A_121 = arith.andi %ne3A_120, %ne3A_112 : vector<1x4096xi1>
    %add3A_122 = vector.broadcast %select_n3A_107 : i32 to vector<1x4096xi32>
    %add3A_123 = arith.addi %rem3A_109, %add3A_122 : vector<1x4096xi32>
    %select_n3A_124 = arith.select %and3A_121, %add3A_123, %rem3A_109 : vector<1x4096xi1>, vector<1x4096xi32>
    %mul3A_125 = arith.constant 8 : i32
    %mul3A_126 = vector.broadcast %mul3A_125 : i32 to vector<1x4096xi32>
    %mul3A_127 = arith.muli %select_n3A_124, %mul3A_126 : vector<1x4096xi32>
    %jit3A_128 = arith.constant 8 : i32
    %div3A_129 = vector.broadcast %jit3A_128 : i32 to vector<1x4096xi32>
    %div3A_130 = arith.divsi %broadcast_in_dim3A_9, %div3A_129 : vector<1x4096xi32>
    %sign3A_131 = arith.constant 0 : i32
    %sign3A_132 = vector.broadcast %sign3A_131 : i32 to vector<1x4096xi32>
    %sign3A_133 = arith.cmpi sgt, %broadcast_in_dim3A_9, %sign3A_132 : vector<1x4096xi32>
    %sign3A_134 = arith.extui %sign3A_133 : vector<1x4096xi1> to vector<1x4096xi32>
    %sign3A_135 = arith.constant 0 : i32
    %sign3A_136 = vector.broadcast %sign3A_135 : i32 to vector<1x4096xi32>
    %sign3A_137 = arith.cmpi slt, %broadcast_in_dim3A_9, %sign3A_136 : vector<1x4096xi32>
    %sign3A_138 = arith.extui %sign3A_137 : vector<1x4096xi1> to vector<1x4096xi32>
    %sign3A_139 = arith.subi %sign3A_134, %sign3A_138 : vector<1x4096xi32>
    %sign3A_140 = arith.constant 0 : i32
    %sign3A_141 = arith.cmpi sgt, %jit3A_128, %sign3A_140 : i32
    %sign3A_142 = arith.extui %sign3A_141 : i1 to i32
    %sign3A_143 = arith.constant 0 : i32
    %sign3A_144 = arith.cmpi slt, %jit3A_128, %sign3A_143 : i32
    %sign3A_145 = arith.extui %sign3A_144 : i1 to i32
    %sign3A_146 = arith.subi %sign3A_142, %sign3A_145 : i32
    %ne3A_147 = vector.broadcast %sign3A_146 : i32 to vector<1x4096xi32>
    %ne3A_148 = arith.cmpi ne, %sign3A_139, %ne3A_147 : vector<1x4096xi32>
    %rem3A_149 = vector.broadcast %jit3A_128 : i32 to vector<1x4096xi32>
    %rem3A_150 = arith.remsi %broadcast_in_dim3A_9, %rem3A_149 : vector<1x4096xi32>
    %ne3A_151 = arith.constant 0 : i32
    %ne3A_152 = vector.broadcast %ne3A_151 : i32 to vector<1x4096xi32>
    %ne3A_153 = arith.cmpi ne, %rem3A_150, %ne3A_152 : vector<1x4096xi32>
    %and3A_154 = arith.andi %ne3A_148, %ne3A_153 : vector<1x4096xi1>
    %sub3A_155 = arith.constant 1 : i32
    %sub3A_156 = vector.broadcast %sub3A_155 : i32 to vector<1x4096xi32>
    %sub3A_157 = arith.subi %div3A_130, %sub3A_156 : vector<1x4096xi32>
    %select_n3A_158 = arith.select %and3A_154, %sub3A_157, %div3A_130 : vector<1x4096xi1>, vector<1x4096xi32>
    %add3A_159 = arith.addi %mul3A_127, %select_n3A_158 : vector<1x4096xi32>
    %convert_element_type3A_160 = arith.sitofp %add3A_159 : vector<1x4096xi32> to vector<1x4096xf32>
    %mul3A_161 = arith.constant 8 : i32
    %mul3A_162 = vector.broadcast %mul3A_161 : i32 to vector<1x4096xi32>
    %mul3A_163 = arith.muli %select_n3A_73, %mul3A_162 : vector<1x4096xi32>
    %jit3A_164 = arith.constant 8 : i32
    %eq3A_165 = arith.constant 0 : i32
    %eq3A_166 = arith.cmpi eq, %jit3A_164, %eq3A_165 : i32
    %jit3A_167 = arith.constant 1 : i32
    %select_n3A_168 = arith.select %eq3A_166, %jit3A_167, %jit3A_164 : i32
    %rem3A_169 = vector.broadcast %select_n3A_168 : i32 to vector<1x4096xi32>
    %rem3A_170 = arith.remsi %broadcast_in_dim3A_9, %rem3A_169 : vector<1x4096xi32>
    %ne3A_171 = arith.constant 0 : i32
    %ne3A_172 = vector.broadcast %ne3A_171 : i32 to vector<1x4096xi32>
    %ne3A_173 = arith.cmpi ne, %rem3A_170, %ne3A_172 : vector<1x4096xi32>
    %lt3A_174 = arith.constant 0 : i32
    %lt3A_175 = vector.broadcast %lt3A_174 : i32 to vector<1x4096xi32>
    %lt3A_176 = arith.cmpi slt, %rem3A_170, %lt3A_175 : vector<1x4096xi32>
    %lt3A_177 = arith.constant 0 : i32
    %lt3A_178 = arith.cmpi slt, %select_n3A_168, %lt3A_177 : i32
    %ne3A_179 = vector.broadcast %lt3A_178 : i1 to vector<1x4096xi1>
    %ne3A_180 = vector.broadcast %ne3A_179 : vector<1x4096xi1> to vector<1x4096xi1>
    %ne3A_181 = arith.xori %lt3A_176, %ne3A_180 : vector<1x4096xi1>
    %and3A_182 = arith.andi %ne3A_181, %ne3A_173 : vector<1x4096xi1>
    %add3A_183 = vector.broadcast %select_n3A_168 : i32 to vector<1x4096xi32>
    %add3A_184 = arith.addi %rem3A_170, %add3A_183 : vector<1x4096xi32>
    %select_n3A_185 = arith.select %and3A_182, %add3A_184, %rem3A_170 : vector<1x4096xi1>, vector<1x4096xi32>
    %add3A_186 = arith.addi %mul3A_163, %select_n3A_185 : vector<1x4096xi32>
    %convert_element_type3A_187 = arith.sitofp %add3A_186 : vector<1x4096xi32> to vector<1x4096xf32>
    %swap3A = arith.constant 0 : index
    %swap3A_188 = arith.constant 0 : index
    %swap3A_189 = arith.constant 0 : index
    %swap3A_190 = vector.load %arg4[%swap3A, %swap3A_188, %swap3A_189] : memref<1x1x4096xf32, #tpu.memory_space<vmem>>, vector<1x1x4096xf32>
    %swap3A_191 = vector.shape_cast %swap3A_190 : vector<1x1x4096xf32> to vector<1x4096xf32>
    %swap3A_192 = vector.shape_cast %convert_element_type3A_187 : vector<1x4096xf32> to vector<1x1x4096xf32>
    tpu.vector_store %arg4[%swap3A, %swap3A_188, %swap3A_189], %swap3A_192 {strides = array<i32>} : memref<1x1x4096xf32, #tpu.memory_space<vmem>>, vector<1x1x4096xf32>,
    %swap3A_193 = arith.constant 0 : index
    %swap3A_194 = arith.constant 0 : index
    %swap3A_195 = arith.constant 0 : index
    %swap3A_196 = vector.load %arg5[%swap3A_193, %swap3A_194, %swap3A_195] : memref<1x1x4096xf32, #tpu.memory_space<vmem>>, vector<1x1x4096xf32>
    %swap3A_197 = vector.shape_cast %swap3A_196 : vector<1x1x4096xf32> to vector<1x4096xf32>
    %swap3A_198 = vector.shape_cast %convert_element_type3A_160 : vector<1x4096xf32> to vector<1x1x4096xf32>
    tpu.vector_store %arg5[%swap3A_193, %swap3A_194, %swap3A_195], %swap3A_198 {strides = array<i32>} : memref<1x1x4096xf32, #tpu.memory_space<vmem>>, vector<1x1x4096xf32>,
    %swap3A_199 = arith.constant 0 : index
    %swap3A_200 = arith.constant 0 : index
    %swap3A_201 = arith.constant 0 : index
    %swap3A_202 = vector.load %arg6[%swap3A_199, %swap3A_200, %swap3A_201] : memref<1x1x4096xf32, #tpu.memory_space<vmem>>, vector<1x1x4096xf32>
    %swap3A_203 = vector.shape_cast %swap3A_202 : vector<1x1x4096xf32> to vector<1x4096xf32>
    %swap3A_204 = vector.shape_cast %sub3A_48 : vector<1x4096xf32> to vector<1x1x4096xf32>
    tpu.vector_store %arg6[%swap3A_199, %swap3A_200, %swap3A_201], %swap3A_204 {strides = array<i32>} : memref<1x1x4096xf32, #tpu.memory_space<vmem>>, vector<1x1x4096xf32>,
    %swap3A_205 = arith.constant 0 : index
    %swap3A_206 = arith.constant 0 : index
    %swap3A_207 = arith.constant 0 : index
    %swap3A_208 = vector.load %arg7[%swap3A_205, %swap3A_206, %swap3A_207] : memref<1x1x4096xf32, #tpu.memory_space<vmem>>, vector<1x1x4096xf32>
    %swap3A_209 = vector.shape_cast %swap3A_208 : vector<1x1x4096xf32> to vector<1x4096xf32>
    %swap3A_210 = vector.shape_cast %convert_element_type3A_35 : vector<1x4096xf32> to vector<1x1x4096xf32>
    tpu.vector_store %arg7[%swap3A_205, %swap3A_206, %swap3A_207], %swap3A_210 {strides = array<i32>} : memref<1x1x4096xf32, #tpu.memory_space<vmem>>, vector<1x1x4096xf32>,
    return
  }
  func.func @transform_0(%arg0: i32) -> (i32, i32) {
    %c0_i32 = arith.constant 0 : i32
    %c0_i32_0 = arith.constant 0 : i32
    return %c0_i32, %arg0 : i32, i32
  }
  func.func @transform_1(%arg0: i32) -> (i32, i32) {
    %c0_i32 = arith.constant 0 : i32
    %c0_i32_0 = arith.constant 0 : i32
    return %c0_i32, %arg0 : i32, i32
  }
  func.func @transform_2(%arg0: i32) -> (i32, i32, i32) {
    %c0_i32 = arith.constant 0 : i32
    %c0_i32_0 = arith.constant 0 : i32
    %c0_i32_1 = arith.constant 0 : i32
    return %arg0, %c0_i32, %c0_i32_0 : i32, i32, i32
  }
  func.func @transform_3(%arg0: i32) -> (i32, i32, i32) {
    %c0_i32 = arith.constant 0 : i32
    %c0_i32_0 = arith.constant 0 : i32
    %c0_i32_1 = arith.constant 0 : i32
    return %arg0, %c0_i32, %c0_i32_0 : i32, i32, i32
  }
  func.func @transform_4(%arg0: i32) -> (i32, i32, i32) {
    %c0_i32 = arith.constant 0 : i32
    %c0_i32_0 = arith.constant 0 : i32
    %c0_i32_1 = arith.constant 0 : i32
    return %arg0, %c0_i32, %c0_i32_0 : i32, i32, i32
  }
  func.func @transform_5(%arg0: i32) -> (i32, i32, i32) {
    %c0_i32 = arith.constant 0 : i32
    %c0_i32_0 = arith.constant 0 : i32
    %c0_i32_1 = arith.constant 0 : i32
    return %arg0, %c0_i32, %c0_i32_0 : i32, i32, i32
  }
  func.func @transform_6(%arg0: i32) -> (i32, i32, i32) {
    %c0_i32 = arith.constant 0 : i32
    %c0_i32_0 = arith.constant 0 : i32
    %c0_i32_1 = arith.constant 0 : i32
    return %arg0, %c0_i32, %c0_i32_0 : i32, i32, i32
  }
}

</mosaic_0001>

<sc_bundles>
// kernel: sparse-core-data-format-call.cloned.1.call-start
scs
called_computation_lowered:
.L_overlay_start_0:
0x0: {  	s1 =	sld [smem:$0x3FD9]  }
0x1: {  	s2 =	sld [smem:$0x3FFE];
	_ =	sdelay $0x1  }
0x2: {  	s3 =	srdreg.scid  }
0x3: {  	s0 =	sand.u32 $0x1, s3  }
0x4: {  	s17 =	sshll.u32 s0, $0xA;
	s1 =	sadd.s32 s2, s1  }
0x5: {  	s1 =	sadd.s32 s1, s17  }
0x6: {  	[smem:$0x3FC7] =	sst s1  }
0x7: {  	_ = 	snop  }
0x8: {  	(tm) =	ssettm $0x1  }
0x9: {  	s18 =	sld [smem:$0x3FFB];
	_ =	sdelay $0x3  }
0xa: {  	_ =	strace s18  }
0xb: {  	s1 =	sld [smem:$0x3FFC];
	_ =	sdelay $0x3  }
0xc: {  	_ =	strace s1  }
0xd: {  	s1 =	sld [smem:$0x3FFD];
	_ =	sdelay $0x3  }
0xe: {  	_ =	strace s1  }
0xf: {  	_ =	strace $0x8FFFFFFF  }
0x10: {  	s19 =	sld [smem:$0x3FDB];
	_ =	sdelay $0x1  }
0x11: {  	s20 =	simm.s32 $_scs_section_size  }
0x12: {  	s4 =	simm.s32 $_size__tile_overlayer_lowered;
	s5 =	simm.s32 $_tile_overlayer_lowered  }
0x13: {  	s23 =	simm.s32 $0x1BFF;
	s22 =	sshll.u32 s5, $0x1;
	s1 =	sadd.s32 s20, s19  }
0x14: {  	s6 =	simm.s32 $0x0;
	s21 =	sshll.u32 s4, $0x1;
	s4 =	sadd.s32 s22, s1  }
0x15: {  	[timem:s6], [sflag:s23] =	dma.local [hbm:s4], s21  }
0x16: {  	_ =	swait.ge [sflag:s23], s21  }
0x17: {  	s2 =	ssub.s32 $0x0, s21;
	[sflag:s23] =	ssyncset.done $0x0  }
0x18: {  	[sflag:s23] =	ssyncadd.s32 s2;
	_ =	sdelay $0x1  }
0x19: {  	s24 =	simm.s32 $0x1B8B  }
0x1a: {  	_ =	swait.ge [sflag:s24], $0x1  }
0x1b: {  	[sflag:s24] =	ssyncset.done $0x0  }
0x1c: {  	s26 =	simm.s32 $0x1B8E;
	s25 =	sld [smem:$0x3FFE];
	[sflag:s24] =	ssyncadd.s32 $0xFFFFFFFF  }
0x1d: {  	s27 =	simm.s32 $execute0_lowered;
	[smem:$0x3FD2] =	sst s26  }
0x1e: {  	s4 =	sshll.u32 s27, $0x1;
	_ =	strace $0x80000046;
	[dreg:$0x1] =	wrdreg $0xFFFFFFFF  }
0x1f: {  	s28 =	simm.s32 $_size_execute0_lowered;
	s1 =	sadd.s32 s1, s4;
	[dreg:$0x0] =	wrdreg $0x0  }
0x20: {  	s4 =	sshll.u32 s28, $0x1;
	[dreg:$0x2] =	wrdreg s1  }
0x21: {  	[dreg:$0x3] =	wrdreg s4  }
0x22: {  	[dreg:$0x4] =	wrdreg $0xC0  }
0x23: {  	_ =	task [dreg:s6], $0x5FFFF  }
0x24: {  	[dreg:$0x1] =	wrdreg $0xFFFFFFFF  }
0x25: {  	[dreg:$0x0] =	wrdreg $0x60  }
0x26: {  	[dreg:$0x2] =	wrdreg s25  }
0x27: {  	[dreg:$0x3] =	wrdreg $0x9  }
0x28: {  	_ =	task.clear_ibuf [dreg:s6], $0x4FFFF;
	_ =	strace $0x90000046  }
0x29: {  	s29 =	simm.s32 $0x9;
	_ =	strace $0x80000048  }
0x2a: {  	_ =	swait.ge [sflag:s29], $0x1  }
0x2b: {  	[sflag:s29] =	ssyncadd.s32 $0xFFFFFFFF  }
0x2c: {  	_ =	strace $0x90000048  }
0x2d: {  	_ =	sfence  }
0x2e: {  	s30 =	sld [smem:$0x0];
	_ =	sdelay $0x2  }
0x2f: {  	s31 =	sshll.u32 s3, $0xD;
	s3 =	sshrl.u32 s3, $0x2  }
0x30: {  	s2 =	sand.u32 $0x4000, s31;
	s1 =	sadd.s32 s3, s30  }
0x31: {  	s0 =	sor.u32 s2, s0;
	s1 =	sshll.u32 s1, $0x11  }
0x32: {  	s0 =	sor.u32 s1, s0  }
0x33: {  	s0 =	sadd.s32 $0x8F2B, s0  }
0x34: {  	[sflag:s0] =	ssyncadd.remote.s32 $0x1  }
0x35: {  	_ =	sfence.sel $0xFFFF  }
0x36: {  	[dreg:$0x0] =	wrdreg $0xFFFFFFFF;
	(pc) =	sbr.abs _section_cstart, $3  }
0x37: {  	[dreg:$0x1] =	wrdreg $0xFFFFFFFF  }
0x38: {  	_ =	task.clear_ibuf [dreg:s6], $0x2FFFF;
	_ =	strace $0x9FFFFFFF  }
0x39: {  	(tm) =	ssettm $0x7FFFFFFF  }
tec
execute0_lowered:
.L_overlay_start_1:
0x0: {  	(tag) =	ssettag $0x1  }
0x1: {  	s2 =	rddreg [dreg:$0x0]  }
0x2: {  	s0 =	rddreg [dreg:$0x1];
	_ =	strace $0x80000047;
	s4 =	srdreg.scid  }
0x3: {  	s1 =	stileid.u32;
	s6 =	simm.s32 $0x2;
	s11 =	simm.s32 $0x0  }
.Ltmp0:
0x4: {  	p0 =	por $0x0, $0x0;
	s7 =	simm.s32 $0x2000;
	(pc) =	sbr.rel .LBB1_1-.Ltmp0, $4  }
0x5: {  	s12 =	simm.s32 $0x0;
	s9 =	simm.s32 $0x0;
	s5 =	sshll.u32 s4, $0x4  }
0x6: {  	s8 =	simm.s32 $0x0;
	s4 =	simm.s32 $0x1;
	s5 =	sand.u32 $0x10, s5  }
0x7: {  	s3 =	sadd.s32 $0x400000, s2;
	[sflag:s4] =	ssyncpa.u1 $0x0;
	s5 =	sor.u32 s1, s5  }
0x8: {  	[sflag:s6] =	ssyncpa.u1 $0x0;
	s6 =	simm.s32 $0x40;
	s10 =	smov.u32 s5  }
.LBB1_7:
0x9: {  	s13 =	sadd.s32 $0x1, s9  }
0xa: {  	s11 =	sadd.s32 $0x20, s10;
	s15 =	smov.u32 s10;
	p2 =	sgt.s32 s13, $0x7  }
0xb: {  	p1 =	slt.u32 s8, $0x2;
	s15 =	smov.u32 @p2 s11  }
0xc: {  	s8 =	sadd.s32 $0x1, s8;
	s13 =	simm.s32 @p2 $0x0;
	p2 =	sgt.s32 s15, $0x3F  }
0xd: {  	s15 =	smov.u32 @p2 s5;
	p2 =	sne.s32 s8, $0x12  }
.Ltmp1:
0xe: {  	_ = 	snop;
	(pc) =	sbr.rel @!p2 .LBB1_8-.Ltmp1, $4  }
0xf: {  	s14 =	simm.s32 @!p1 $0x2  }
0x10: {  	s12 =	smov.u32 s10;
	_ =	swait.ge @!p1 [sflag:s14], $0x4000  }
0x11: {  	p0 =	por !p0, !p0;
	s11 =	smov.u32 s9;
	[sflag:s14] =	ssyncset.done @!p1 $0x0  }
0x12: {  	s9 =	smov.u32 s13;
	[sflag:s14] =	ssyncadd.s32 @!p1 $0xFFFFC000;
	s10 =	smov.u32 s15  }
.LBB1_1:
0x13: {  	p1 =	sgt.u32 s8, $0xF  }
0x14: {  	s13 =	sxor.u32 @!p1 $0xFFFFFFFF, s8;
	s14 =	sshll.u32 @!p1 s10, $0x10;
	s15 =	sshll.u32 @!p1 s9, $0xD  }
0x15: {  	s16 =	simm.s32 @!p1 $0x80;
	s13 =	sshll.u32 @!p1 s13, $0xE;
	s14 =	sadd.s32 @!p1 s2, s14  }
0x16: {  	s13 =	sand.u32 @!p1 $0x4000, s13;
	s14 =	sadd.s32 @!p1 s15, s14;
	s15 =	simm.s32 @!p1 $0x20  }
0x17: {  	[tilespmem:s13], [sflag:$0x1] =	stream.strided.gather @!p1 [hbm4b:s14+s15], $0x4000, s16, s15, $0x38;
	[tilespmem:$0x10200] =	vst v63  }
0x18: {  	p1 =	seq.s32 s8, $0x0  }
0x19: {  	p2 =	seq.s32 @!p1 s8, $0x11  }
0x1a: {  	p1 =	por p1, p2  }
.Ltmp2:
0x1b: {  	_ = 	snop;
	(pc) =	sbr.rel @p1 .LBB1_7-.Ltmp2, $1  }
0x1c: {  	_ =	sdelay $0x3  }
0x1d: {  	s13 =	simm.s32 $0x1;
	s15 =	sand.u32 $0x1, s8  }
0x1e: {  	s13 =	simm.s32 @!p0 $0x0;
	s16 =	smul.u32 $0x10400, s15  }
0x1f: {  	_ =	swait.ge [sflag:s4], $0x4000;
	s14 =	smul.u32 $0x10400, s13  }
0x20: {  	[sflag:s4] =	ssyncset.done $0x0;
	s15 =	sshll.u32 s13, $0xE  }
0x21: {  	[sflag:s4] =	ssyncadd.s32 $0xFFFFC000;
	s31 =	sshrl.u32 s16, $0x2;
	s14 =	sshrl.u32 s14, $0x2  }
0x22: {  	s16 =	simm.s32 $0x0;
	s13 =	sor.u32 $0x8000, s31;
	s14 =	sadd.s32 $0x8410, s14  }
.LBB1_3:
0x23: {  	v0 =	vmov s15;
	_ =	sdelay $0x3  }
0x24: {  	s17 =	simm.s32 $0x0  }
0x25: {  	v1 =	vld.idx.msk [tilespmem:v0+s17+$0x10 ss:$0x1], $0xffff  }
0x26: {  	v2 =	vld.idx.msk [tilespmem:v0+s17+$0x0 ss:$0x1], $0xffff;
	_ =	sdelay $0x1  }
0x27: {  	s18 =	simm.s32 $0x80;
	s17 =	smov.u32 s14  }
.LBB1_4:
0x28: {  	s19 =	sshra.s32 s18, $0x2;
	p1 =	sne.s32 s18, $0x380;
	s18 =	sadd.s32 $0x80, s18  }
.Ltmp3:
0x29: {  	[tilespmem:s17+$0x0 ss:$0x41] =	vst.msk $0xffff, v1;
	v1 =	vld.idx.msk [tilespmem:v0+s19+$0x10 ss:$0x1], $0xffff;
	(pc) =	sbr.rel @p1 .LBB1_4-.Ltmp3, $2  }
0x2a: {  	[tilespmem:s17+$0xFFFFFBF0 ss:$0x41] =	vst.msk $0xffff, v2;
	v2 =	vld.idx.msk [tilespmem:v0+s19+$0x0 ss:$0x1], $0xffff;
	_ =	sdelay $0x2  }
0x2b: {  	s17 =	sadd.s32 $0x820, s17  }
0x2c: {  	s16 =	sadd.s32 $0x1, s16  }
0x2d: {  	p1 =	sne.s32 s16, $0x40  }
.Ltmp4:
0x2e: {  	_ = 	snop;
	(pc) =	sbr.rel @p1 .LBB1_3-.Ltmp4, $3  }
0x2f: {  	_ =	sdelay $0x1  }
0x30: {  	[tilespmem:s17+$0x0 ss:$0x41] =	vst.msk $0xffff, v1  }
0x31: {  	s14 =	sadd.s32 $0x1, s14;
	s15 =	sadd.s32 $0x100, s15;
	[tilespmem:s17+$0xFFFFFBF0 ss:$0x41] =	vst.msk $0xffff, v2  }
.Ltmp5:
0x32: {  	s12 =	sshll.u32 s12, $0x4;
	(pc) =	sbr.rel .LBB1_7-.Ltmp5, $4  }
0x33: {  	s12 =	sand.u32 $0x3F0, s12  }
0x34: {  	s11 =	sshll.u32 s11, $0x12;
	s12 =	sadd.s32 s3, s12  }
0x35: {  	s11 =	sadd.s32 s11, s12  }
0x36: {  	[hbm4b:s11+s6] =	stream.strided.scatter [tilespmem:s13], [sflag:$0x2], $0x4000, s7, s6, $0x18;
	[tilespmem:$0x10200] =	vst v63  }
.LBB1_8:
0x37: {  	_ =	sfence.sel $0x180000  }
0x38: {  	s2 =	simm.s32 $0x1;
	[bflag:$0x0] =	sbarrier.arrive $0xFFFF  }
0x39: {  	s31 =	simm.s32 $0x2;
	[sflag:s2] =	ssyncpa.u1 $0x1  }
0x3a: {  	[sflag:s31] =	ssyncpa.u1 $0x1  }
0x3b: {  	p0 =	sne.s32 s1, $0x0;
	_ =	strace $0x90000047  }
0x3c: {  	s0 =	sadd.s32 @!p0 $0x100000, s0;
	[bflag:$0x2] =	sbarrier.arrive $0xFFFF  }
0x3d: {  	[sflag:s0] =	ssyncadd.tile.s32 @!p0 $0x1;
	_ =	shalt  }
.Lfunc_end1:
_tile_overlayer_lowered:
.L_overlay_start_2:
0x3e: {  	(tag) =	ssettag $0x2  }
0x3f: {  	s0 =	rddreg [dreg:$0x0];
	s2 =	stileid.u32  }
0x40: {  	s1 =	rddreg [dreg:$0x1];
	p0 =	sne.s32 s2, $0x0  }
0x41: {  	s3 =	rddreg [dreg:$0x2];
	[bflag:$0x3] =	sbarrier.arrive $0xFFFF;
	s2 =	simm.s32 @!p0 $0x1C01  }
0x42: {  	[timem:s3], [sflag:s2] =	dma.local @!p0 [hbm:s0], s1  }
0x43: {  	s0 =	simm.s32 @!p0 $0x1  }
0x44: {  	_ =	swait.ge @!p0 [sflag:s0], s1  }
0x45: {  	s1 =	ssub.s32 @!p0 $0x0, s1;
	[sflag:s0] =	ssyncset.done @!p0 $0x0  }
0x46: {  	[sflag:s0] =	ssyncadd.s32 @!p0 s1  }
0x47: {  	[bflag:$0x3] =	sbarrier.arrive $0xFFFF  }
0x48: {  	_ =	shalt  }

</sc_bundles>
